<compile_context>
chip_gen: v7x
topology: tpu7x:2x2x1
jax: 0.10.2.dev20260603
libtpu: 0.0.44.dev20260713+nightly
codegen_flags: <defaults>
</compile_context>

<pallas_src>
import jax
import jax.numpy as jnp
from jax import lax
from jax.experimental import pallas as pl
from jax.experimental.pallas import tpu as pltpu
from jax.experimental.pallas import tpu_sc as plsc

_BLOCK = 512
_N = 32768
_NW = 32
_BPW = _N // _NW

_GDN = lax.GatherDimensionNumbers(
    offset_dims=(), collapsed_slice_dims=(0,), start_index_map=(0,))


def _lane_gather(x, idx):
    return lax.gather(x, idx[:, None], _GDN, (1,),
                      mode=lax.GatherScatterMode.PROMISE_IN_BOUNDS)


def _sc_repack(rw_hbm, se_hbm, out_hbm, rw_v, se_v, r0_v, r1_v, s0_v, s1_v):
    wid = lax.axis_index("s") * 2 + lax.axis_index("c")
    base = wid * (2 * _BPW)
    pltpu.sync_copy(rw_hbm.at[pl.ds(base, 2 * _BPW)], rw_v)
    pltpu.sync_copy(se_hbm.at[pl.ds(base, 2 * _BPW)], se_v)
    iota = lax.iota(jnp.int32, 16)
    even = (iota * 2) % 16
    odd = even + 1
    lo = iota < 8

    def deint(v, j):
        a = v[pl.ds(j * 32, 16)]
        b = v[pl.ds(j * 32 + 16, 16)]
        k0 = jnp.where(lo, _lane_gather(a, even), _lane_gather(b, even))
        k1 = jnp.where(lo, _lane_gather(a, odd), _lane_gather(b, odd))
        return k0, k1

    def body(j, carry):
        sl = pl.ds(j * 16, 16)
        r0, r1 = deint(rw_v, j)
        s0, s1 = deint(se_v, j)
        r0_v[sl] = r0
        r1_v[sl] = r1
        s0_v[sl] = s0
        s1_v[sl] = s1
        return carry

    lax.fori_loop(0, _BPW // 16, body, 0)
    tsl = pl.ds(wid * _BPW, _BPW)
    pltpu.sync_copy(r0_v, out_hbm.at[0, tsl])
    pltpu.sync_copy(r1_v, out_hbm.at[1, tsl])
    pltpu.sync_copy(s0_v, out_hbm.at[2, tsl])
    pltpu.sync_copy(s1_v, out_hbm.at[3, tsl])


def _repack(rw_flat, se_flat):
    mesh = plsc.VectorSubcoreMesh(core_axis_name="c", subcore_axis_name="s")
    f = pl.kernel(
        _sc_repack,
        mesh=mesh,
        out_type=jax.ShapeDtypeStruct((4, _N), jnp.float32),
        scratch_types=[
            pltpu.VMEM((2 * _BPW,), jnp.float32),
            pltpu.VMEM((2 * _BPW,), jnp.float32),
            pltpu.VMEM((_BPW,), jnp.float32),
            pltpu.VMEM((_BPW,), jnp.float32),
            pltpu.VMEM((_BPW,), jnp.float32),
            pltpu.VMEM((_BPW,), jnp.float32),
        ],
    )
    return f(rw_flat, se_flat)


def _tc_body(ei_ref, p_ref, h_ref, o_ref):
    ei = ei_ref[0]
    a = jnp.where(p_ref[2:4, :] == ei, p_ref[0:2, :], 0.0)
    ones = jnp.ones((2, 128), jnp.float32)
    w = jax.lax.dot_general(a, ones, (((0,), (0,)), ((), ())),
                            preferred_element_type=jnp.float32)
    o_ref[...] = h_ref[...] * w[:, 0:1]


def kernel(routing_weights, selected_experts, hidden_state, expert_idx):
    n, k = routing_weights.shape
    d = hidden_state.shape[1]
    ei = jnp.asarray(expert_idx, jnp.float32).reshape((1,))
    rw_flat = routing_weights.reshape(-1)
    se_flat = selected_experts.astype(jnp.float32).reshape(-1)
    packed = _repack(rw_flat, se_flat)
    grid = (n // _BLOCK,)
    return pl.pallas_call(
        _tc_body,
        grid=grid,
        in_specs=[
            pl.BlockSpec(memory_space=pltpu.SMEM),
            pl.BlockSpec((4, _BLOCK), lambda i: (0, i)),
            pl.BlockSpec((_BLOCK, d), lambda i: (i, 0)),
        ],
        out_specs=pl.BlockSpec((_BLOCK, d), lambda i: (i, 0)),
        out_shape=jax.ShapeDtypeStruct((n, d), hidden_state.dtype),
        compiler_params=pltpu.CompilerParams(
            dimension_semantics=("arbitrary",)),
    )(ei, packed, hidden_state)

# --- scband reference (transcript-rebuilt; emitter-appended) ---
"""Pipeline reference for scband-mix-gate-42442866819221 (READ-ONLY COPY).

The authoritative reference and input builder live on the scoring server;
editing this copy changes nothing except your own understanding.
"""

import jax, jax.numpy as jnp
import numpy as np

N_TOKENS = 32768
TOP_K = 2
N_EXPERTS = 8
D_MODEL = 2048
EXPERT_IDX = 3

def setup_inputs(seed: int = 0) -> dict:
    key = jax.random.key(seed)
    k1, k2, k3 = jax.random.split(key, 3)
    routing_weights = jax.random.uniform(k1, (N_TOKENS, TOP_K), dtype=jnp.float32)
    # normalize like the torch module (topk softmax weights renormalized to sum 1)
    routing_weights = routing_weights / jnp.sum(routing_weights, axis=-1, keepdims=True)
    selected_experts = jax.random.randint(k2, (N_TOKENS, TOP_K), 0, N_EXPERTS, dtype=jnp.int64)
    hidden_state = jax.random.normal(k3, (N_TOKENS, D_MODEL), dtype=jnp.float32)
    return {
        'routing_weights': routing_weights,
        'selected_experts': selected_experts,
        'hidden_state': hidden_state,
        'expert_idx': EXPERT_IDX,
    }

def reference(routing_weights, selected_experts, hidden_state, expert_idx):
    # expert_mask = selected_experts == expert_idx
    expert_mask = (selected_experts == expert_idx)
    # expert_weights = (routing_weights * expert_mask).sum(dim=-1, keepdim=True)
    expert_weights = jnp.sum(routing_weights * expert_mask.astype(routing_weights.dtype), axis=-1, keepdims=True)
    # hidden_state.mul_(expert_weights) -- in-place multiply, same math out-of-place
    return hidden_state * expert_weights

if __name__ == "__main__":
    import jax
    _d = setup_inputs()
    print(jax.jit(kernel)(*tuple(_d.values())))

</pallas_src>

<mosaic_0001>
#map = affine_map<(d0, d1) -> (0)>
#map1 = affine_map<(d0, d1) -> (0, 0)>
module attributes {stable_mosaic.version = 14 : i64} {
  func.func @_sc_repack(%arg0: i32, %arg1: i32, %arg2: memref<65536xf32, #tpu.memory_space<hbm>>, %arg3: memref<65536xf32, #tpu.memory_space<hbm>>, %arg4: memref<4x32768xf32, #tpu.memory_space<hbm>>, %arg5: memref<2048xf32, #tpu.memory_space<vmem>>, %arg6: memref<2048xf32, #tpu.memory_space<vmem>>, %arg7: memref<1024xf32, #tpu.memory_space<vmem>>, %arg8: memref<1024xf32, #tpu.memory_space<vmem>>, %arg9: memref<1024xf32, #tpu.memory_space<vmem>>, %arg10: memref<1024xf32, #tpu.memory_space<vmem>>) attributes {dimension_semantics = [#tpu.dimension_semantics<core_parallel>, #tpu.dimension_semantics<subcore_parallel>], iteration_bounds = array<i64: 2, 16>, scalar_prefetch = 0 : i64, scratch_operands = 6 : i64, tpu.core_type = #tpu.core_type<sc_vector_subcore>, window_params = [{transform_indices = #map}, {transform_indices = #map}, {transform_indices = #map1}]} {
    %mul3A = arith.constant 2 : i32
    %mul3A_0 = arith.muli %arg1, %mul3A : i32
    %add3A = arith.addi %mul3A_0, %arg0 : i32
    %mul3A_1 = arith.constant 2048 : i32
    %mul3A_2 = arith.muli %add3A, %mul3A_1 : i32
    "tpu.region"() ({
      %run_scoped3A_37 = tpu.sem_alloc : memref<!tpu.dma_semaphore, #tpu.memory_space<semaphore_mem>>
      %dma_start3A = tpu.memref_slice %arg2[%mul3A_2] : memref<65536xf32, #tpu.memory_space<hbm>> -> memref<2048xf32, #tpu.memory_space<hbm>>
      %dma_start3A_38 = tpu.memref_slice %arg2[%mul3A_2] : memref<65536xf32, #tpu.memory_space<hbm>> -> memref<2048xf32, #tpu.memory_space<hbm>>
      tpu.enqueue_dma source(%dma_start3A_38 : memref<2048xf32, #tpu.memory_space<hbm>>) target(%arg5 : memref<2048xf32, #tpu.memory_space<vmem>>) target_semaphore(%run_scoped3A_37 : memref<!tpu.dma_semaphore, #tpu.memory_space<semaphore_mem>>)
      %dma_wait3A = tpu.memref_slice %arg2[%mul3A_2] : memref<65536xf32, #tpu.memory_space<hbm>> -> memref<2048xf32, #tpu.memory_space<hbm>>
      %dma_wait3A_39 = tpu.memref_slice %arg2[%mul3A_2] : memref<65536xf32, #tpu.memory_space<hbm>> -> memref<2048xf32, #tpu.memory_space<hbm>>
      tpu.wait_dma2 semaphore(%run_scoped3A_37 : memref<!tpu.dma_semaphore, #tpu.memory_space<semaphore_mem>>) src(%dma_wait3A_39 : memref<2048xf32, #tpu.memory_space<hbm>>) dst(%arg5 : memref<2048xf32, #tpu.memory_space<vmem>>)
      tpu.yield
    }) : () -> ()
    "tpu.region"() ({
      %run_scoped3A_37 = tpu.sem_alloc : memref<!tpu.dma_semaphore, #tpu.memory_space<semaphore_mem>>
      %dma_start3A = tpu.memref_slice %arg3[%mul3A_2] : memref<65536xf32, #tpu.memory_space<hbm>> -> memref<2048xf32, #tpu.memory_space<hbm>>
      %dma_start3A_38 = tpu.memref_slice %arg3[%mul3A_2] : memref<65536xf32, #tpu.memory_space<hbm>> -> memref<2048xf32, #tpu.memory_space<hbm>>
      tpu.enqueue_dma source(%dma_start3A_38 : memref<2048xf32, #tpu.memory_space<hbm>>) target(%arg6 : memref<2048xf32, #tpu.memory_space<vmem>>) target_semaphore(%run_scoped3A_37 : memref<!tpu.dma_semaphore, #tpu.memory_space<semaphore_mem>>)
      %dma_wait3A = tpu.memref_slice %arg3[%mul3A_2] : memref<65536xf32, #tpu.memory_space<hbm>> -> memref<2048xf32, #tpu.memory_space<hbm>>
      %dma_wait3A_39 = tpu.memref_slice %arg3[%mul3A_2] : memref<65536xf32, #tpu.memory_space<hbm>> -> memref<2048xf32, #tpu.memory_space<hbm>>
      tpu.wait_dma2 semaphore(%run_scoped3A_37 : memref<!tpu.dma_semaphore, #tpu.memory_space<semaphore_mem>>) src(%dma_wait3A_39 : memref<2048xf32, #tpu.memory_space<hbm>>) dst(%arg6 : memref<2048xf32, #tpu.memory_space<vmem>>)
      tpu.yield
    }) : () -> ()
    %iota3A = tpu.iota {dimensions = array<i32: 0>} : vector<16xi32>
    %mul3A_3 = arith.constant 2 : i32
    %mul3A_4 = vector.broadcast %mul3A_3 : i32 to vector<16xi32>
    %mul3A_5 = arith.muli %iota3A, %mul3A_4 : vector<16xi32>
    %jit3A = arith.constant 16 : i32
    %eq3A = arith.constant 0 : i32
    %eq3A_6 = arith.cmpi eq, %jit3A, %eq3A : i32
    %jit3A_7 = arith.constant 1 : i32
    %select_n3A = arith.select %eq3A_6, %jit3A_7, %jit3A : i32
    %rem3A = vector.broadcast %select_n3A : i32 to vector<16xi32>
    %rem3A_8 = arith.remsi %mul3A_5, %rem3A : vector<16xi32>
    %ne3A = arith.constant 0 : i32
    %ne3A_9 = vector.broadcast %ne3A : i32 to vector<16xi32>
    %ne3A_10 = arith.cmpi ne, %rem3A_8, %ne3A_9 : vector<16xi32>
    %lt3A = arith.constant 0 : i32
    %lt3A_11 = vector.broadcast %lt3A : i32 to vector<16xi32>
    %lt3A_12 = arith.cmpi slt, %rem3A_8, %lt3A_11 : vector<16xi32>
    %lt3A_13 = arith.constant 0 : i32
    %lt3A_14 = arith.cmpi slt, %select_n3A, %lt3A_13 : i32
    %ne3A_15 = vector.broadcast %lt3A_14 : i1 to vector<16xi1>
    %ne3A_16 = vector.broadcast %ne3A_15 : vector<16xi1> to vector<16xi1>
    %ne3A_17 = arith.xori %lt3A_12, %ne3A_16 : vector<16xi1>
    %and3A = arith.andi %ne3A_17, %ne3A_10 : vector<16xi1>
    %add3A_18 = vector.broadcast %select_n3A : i32 to vector<16xi32>
    %add3A_19 = arith.addi %rem3A_8, %add3A_18 : vector<16xi32>
    %select_n3A_20 = arith.select %and3A, %add3A_19, %rem3A_8 : vector<16xi1>, vector<16xi32>
    %add3A_21 = arith.constant 1 : i32
    %add3A_22 = vector.broadcast %add3A_21 : i32 to vector<16xi32>
    %add3A_23 = arith.addi %select_n3A_20, %add3A_22 : vector<16xi32>
    %lt3A_24 = arith.constant 8 : i32
    %lt3A_25 = vector.broadcast %lt3A_24 : i32 to vector<16xi32>
    %lt3A_26 = arith.cmpi slt, %iota3A, %lt3A_25 : vector<16xi32>
    %scan3A = arith.constant 0 : i32
    %scan3A_27 = arith.constant 0 : i32
    %scan3A_28 = arith.constant 64 : i32
    %scan3A_29 = arith.addi %scan3A_27, %scan3A_28 : i32
    %scan3A_30 = arith.constant 1 : i32
    scf.for %scan3A_37 = %scan3A_27 to %scan3A_29 step %scan3A_30  : i32 {
      %mul3A_38 = arith.constant 16 : i32
      %mul3A_39 = arith.muli %scan3A_37, %mul3A_38 : i32
      %mul3A_40 = arith.constant 32 : i32
      %mul3A_41 = arith.muli %scan3A_37, %mul3A_40 : i32
      %get3A = arith.index_cast %mul3A_41 : i32 to index
      %get3A_42 = tpu.vector_load %arg5[%get3A] {strides = array<i32>} : memref<2048xf32, #tpu.memory_space<vmem>>, vector<16xf32>,
      %get3A_43 = vector.shape_cast %get3A_42 : vector<16xf32> to vector<16xf32>
      %mul3A_44 = arith.constant 32 : i32
      %mul3A_45 = arith.muli %scan3A_37, %mul3A_44 : i32
      %add3A_46 = arith.constant 16 : i32
      %add3A_47 = arith.addi %mul3A_45, %add3A_46 : i32
      %get3A_48 = arith.index_cast %add3A_47 : i32 to index
      %get3A_49 = tpu.vector_load %arg5[%get3A_48] {strides = array<i32>} : memref<2048xf32, #tpu.memory_space<vmem>>, vector<16xf32>,
      %get3A_50 = vector.shape_cast %get3A_49 : vector<16xf32> to vector<16xf32>
      %broadcast_in_dim3A = vector.shape_cast %select_n3A_20 : vector<16xi32> to vector<16x1xi32>
      %gather3A = vector.shape_cast %broadcast_in_dim3A : vector<16x1xi32> to vector<16xi32>
      %gather3A_51 = tpu.dynamic_gather %get3A_43[%gather3A] in [0] : vector<16xf32>, vector<16xi32> -> vector<16xf32>
      %broadcast_in_dim3A_52 = vector.shape_cast %select_n3A_20 : vector<16xi32> to vector<16x1xi32>
      %gather3A_53 = vector.shape_cast %broadcast_in_dim3A_52 : vector<16x1xi32> to vector<16xi32>
      %gather3A_54 = tpu.dynamic_gather %get3A_50[%gather3A_53] in [0] : vector<16xf32>, vector<16xi32> -> vector<16xf32>
      %select_n3A_55 = arith.select %lt3A_26, %gather3A_51, %gather3A_54 : vector<16xi1>, vector<16xf32>
      %broadcast_in_dim3A_56 = vector.shape_cast %add3A_23 : vector<16xi32> to vector<16x1xi32>
      %gather3A_57 = vector.shape_cast %broadcast_in_dim3A_56 : vector<16x1xi32> to vector<16xi32>
      %gather3A_58 = tpu.dynamic_gather %get3A_43[%gather3A_57] in [0] : vector<16xf32>, vector<16xi32> -> vector<16xf32>
      %broadcast_in_dim3A_59 = vector.shape_cast %add3A_23 : vector<16xi32> to vector<16x1xi32>
      %gather3A_60 = vector.shape_cast %broadcast_in_dim3A_59 : vector<16x1xi32> to vector<16xi32>
      %gather3A_61 = tpu.dynamic_gather %get3A_50[%gather3A_60] in [0] : vector<16xf32>, vector<16xi32> -> vector<16xf32>
      %select_n3A_62 = arith.select %lt3A_26, %gather3A_58, %gather3A_61 : vector<16xi1>, vector<16xf32>
      %mul3A_63 = arith.constant 32 : i32
      %mul3A_64 = arith.muli %scan3A_37, %mul3A_63 : i32
      %get3A_65 = arith.index_cast %mul3A_64 : i32 to index
      %get3A_66 = tpu.vector_load %arg6[%get3A_65] {strides = array<i32>} : memref<2048xf32, #tpu.memory_space<vmem>>, vector<16xf32>,
      %get3A_67 = vector.shape_cast %get3A_66 : vector<16xf32> to vector<16xf32>
      %mul3A_68 = arith.constant 32 : i32
      %mul3A_69 = arith.muli %scan3A_37, %mul3A_68 : i32
      %add3A_70 = arith.constant 16 : i32
      %add3A_71 = arith.addi %mul3A_69, %add3A_70 : i32
      %get3A_72 = arith.index_cast %add3A_71 : i32 to index
      %get3A_73 = tpu.vector_load %arg6[%get3A_72] {strides = array<i32>} : memref<2048xf32, #tpu.memory_space<vmem>>, vector<16xf32>,
      %get3A_74 = vector.shape_cast %get3A_73 : vector<16xf32> to vector<16xf32>
      %broadcast_in_dim3A_75 = vector.shape_cast %select_n3A_20 : vector<16xi32> to vector<16x1xi32>
      %gather3A_76 = vector.shape_cast %broadcast_in_dim3A_75 : vector<16x1xi32> to vector<16xi32>
      %gather3A_77 = tpu.dynamic_gather %get3A_67[%gather3A_76] in [0] : vector<16xf32>, vector<16xi32> -> vector<16xf32>
      %broadcast_in_dim3A_78 = vector.shape_cast %select_n3A_20 : vector<16xi32> to vector<16x1xi32>
      %gather3A_79 = vector.shape_cast %broadcast_in_dim3A_78 : vector<16x1xi32> to vector<16xi32>
      %gather3A_80 = tpu.dynamic_gather %get3A_74[%gather3A_79] in [0] : vector<16xf32>, vector<16xi32> -> vector<16xf32>
      %select_n3A_81 = arith.select %lt3A_26, %gather3A_77, %gather3A_80 : vector<16xi1>, vector<16xf32>
      %broadcast_in_dim3A_82 = vector.shape_cast %add3A_23 : vector<16xi32> to vector<16x1xi32>
      %gather3A_83 = vector.shape_cast %broadcast_in_dim3A_82 : vector<16x1xi32> to vector<16xi32>
      %gather3A_84 = tpu.dynamic_gather %get3A_67[%gather3A_83] in [0] : vector<16xf32>, vector<16xi32> -> vector<16xf32>
      %broadcast_in_dim3A_85 = vector.shape_cast %add3A_23 : vector<16xi32> to vector<16x1xi32>
      %gather3A_86 = vector.shape_cast %broadcast_in_dim3A_85 : vector<16x1xi32> to vector<16xi32>
      %gather3A_87 = tpu.dynamic_gather %get3A_74[%gather3A_86] in [0] : vector<16xf32>, vector<16xi32> -> vector<16xf32>
      %select_n3A_88 = arith.select %lt3A_26, %gather3A_84, %gather3A_87 : vector<16xi1>, vector<16xf32>
      %swap3A = arith.index_cast %mul3A_39 : i32 to index
      %swap3A_89 = tpu.vector_load %arg7[%swap3A] {strides = array<i32>} : memref<1024xf32, #tpu.memory_space<vmem>>, vector<16xf32>,
      %swap3A_90 = vector.shape_cast %swap3A_89 : vector<16xf32> to vector<16xf32>
      %swap3A_91 = vector.shape_cast %select_n3A_55 : vector<16xf32> to vector<16xf32>
      tpu.vector_store %arg7[%swap3A], %swap3A_91 {strides = array<i32>} : memref<1024xf32, #tpu.memory_space<vmem>>, vector<16xf32>,
      %swap3A_92 = arith.index_cast %mul3A_39 : i32 to index
      %swap3A_93 = tpu.vector_load %arg8[%swap3A_92] {strides = array<i32>} : memref<1024xf32, #tpu.memory_space<vmem>>, vector<16xf32>,
      %swap3A_94 = vector.shape_cast %swap3A_93 : vector<16xf32> to vector<16xf32>
      %swap3A_95 = vector.shape_cast %select_n3A_62 : vector<16xf32> to vector<16xf32>
      tpu.vector_store %arg8[%swap3A_92], %swap3A_95 {strides = array<i32>} : memref<1024xf32, #tpu.memory_space<vmem>>, vector<16xf32>,
      %swap3A_96 = arith.index_cast %mul3A_39 : i32 to index
      %swap3A_97 = tpu.vector_load %arg9[%swap3A_96] {strides = array<i32>} : memref<1024xf32, #tpu.memory_space<vmem>>, vector<16xf32>,
      %swap3A_98 = vector.shape_cast %swap3A_97 : vector<16xf32> to vector<16xf32>
      %swap3A_99 = vector.shape_cast %select_n3A_81 : vector<16xf32> to vector<16xf32>
      tpu.vector_store %arg9[%swap3A_96], %swap3A_99 {strides = array<i32>} : memref<1024xf32, #tpu.memory_space<vmem>>, vector<16xf32>,
      %swap3A_100 = arith.index_cast %mul3A_39 : i32 to index
      %swap3A_101 = tpu.vector_load %arg10[%swap3A_100] {strides = array<i32>} : memref<1024xf32, #tpu.memory_space<vmem>>, vector<16xf32>,
      %swap3A_102 = vector.shape_cast %swap3A_101 : vector<16xf32> to vector<16xf32>
      %swap3A_103 = vector.shape_cast %select_n3A_88 : vector<16xf32> to vector<16xf32>
      tpu.vector_store %arg10[%swap3A_100], %swap3A_103 {strides = array<i32>} : memref<1024xf32, #tpu.memory_space<vmem>>, vector<16xf32>,
    }
    %scan3A_31 = arith.constant 64 : i32
    %mul3A_32 = arith.constant 1024 : i32
    %mul3A_33 = arith.muli %add3A, %mul3A_32 : i32
    %run_scoped3A = arith.constant 0 : i32
    "tpu.region"() ({
      %run_scoped3A_37 = tpu.sem_alloc : memref<!tpu.dma_semaphore, #tpu.memory_space<semaphore_mem>>
      %dma_start3A = tpu.memref_slice %arg4[%run_scoped3A, %mul3A_33] : memref<4x32768xf32, #tpu.memory_space<hbm>> -> memref<1x1024xf32, #tpu.memory_space<hbm>>
      %dma_start3A_38 = tpu.memref_squeeze %dma_start3A : memref<1x1024xf32, #tpu.memory_space<hbm>> -> memref<1024xf32, #tpu.memory_space<hbm>>
      %dma_start3A_39 = tpu.memref_slice %arg4[%run_scoped3A, %mul3A_33] : memref<4x32768xf32, #tpu.memory_space<hbm>> -> memref<1x1024xf32, #tpu.memory_space<hbm>>
      %dma_start3A_40 = tpu.memref_squeeze %dma_start3A_39 : memref<1x1024xf32, #tpu.memory_space<hbm>> -> memref<1024xf32, #tpu.memory_space<hbm>>
      tpu.enqueue_dma source(%arg7 : memref<1024xf32, #tpu.memory_space<vmem>>) target(%dma_start3A_40 : memref<1024xf32, #tpu.memory_space<hbm>>) target_semaphore(%run_scoped3A_37 : memref<!tpu.dma_semaphore, #tpu.memory_space<semaphore_mem>>)
      %dma_wait3A = tpu.memref_slice %arg4[%run_scoped3A, %mul3A_33] : memref<4x32768xf32, #tpu.memory_space<hbm>> -> memref<1x1024xf32, #tpu.memory_space<hbm>>
      %dma_wait3A_41 = tpu.memref_squeeze %dma_wait3A : memref<1x1024xf32, #tpu.memory_space<hbm>> -> memref<1024xf32, #tpu.memory_space<hbm>>
      %dma_wait3A_42 = tpu.memref_slice %arg4[%run_scoped3A, %mul3A_33] : memref<4x32768xf32, #tpu.memory_space<hbm>> -> memref<1x1024xf32, #tpu.memory_space<hbm>>
      %dma_wait3A_43 = tpu.memref_squeeze %dma_wait3A_42 : memref<1x1024xf32, #tpu.memory_space<hbm>> -> memref<1024xf32, #tpu.memory_space<hbm>>
      tpu.wait_dma2 semaphore(%run_scoped3A_37 : memref<!tpu.dma_semaphore, #tpu.memory_space<semaphore_mem>>) src(%arg7 : memref<1024xf32, #tpu.memory_space<vmem>>) dst(%dma_wait3A_43 : memref<1024xf32, #tpu.memory_space<hbm>>)
      tpu.yield
    }) : () -> ()
    %run_scoped3A_34 = arith.constant 1 : i32
    "tpu.region"() ({
      %run_scoped3A_37 = tpu.sem_alloc : memref<!tpu.dma_semaphore, #tpu.memory_space<semaphore_mem>>
      %dma_start3A = tpu.memref_slice %arg4[%run_scoped3A_34, %mul3A_33] : memref<4x32768xf32, #tpu.memory_space<hbm>> -> memref<1x1024xf32, #tpu.memory_space<hbm>>
      %dma_start3A_38 = tpu.memref_squeeze %dma_start3A : memref<1x1024xf32, #tpu.memory_space<hbm>> -> memref<1024xf32, #tpu.memory_space<hbm>>
      %dma_start3A_39 = tpu.memref_slice %arg4[%run_scoped3A_34, %mul3A_33] : memref<4x32768xf32, #tpu.memory_space<hbm>> -> memref<1x1024xf32, #tpu.memory_space<hbm>>
      %dma_start3A_40 = tpu.memref_squeeze %dma_start3A_39 : memref<1x1024xf32, #tpu.memory_space<hbm>> -> memref<1024xf32, #tpu.memory_space<hbm>>
      tpu.enqueue_dma source(%arg8 : memref<1024xf32, #tpu.memory_space<vmem>>) target(%dma_start3A_40 : memref<1024xf32, #tpu.memory_space<hbm>>) target_semaphore(%run_scoped3A_37 : memref<!tpu.dma_semaphore, #tpu.memory_space<semaphore_mem>>)
      %dma_wait3A = tpu.memref_slice %arg4[%run_scoped3A_34, %mul3A_33] : memref<4x32768xf32, #tpu.memory_space<hbm>> -> memref<1x1024xf32, #tpu.memory_space<hbm>>
      %dma_wait3A_41 = tpu.memref_squeeze %dma_wait3A : memref<1x1024xf32, #tpu.memory_space<hbm>> -> memref<1024xf32, #tpu.memory_space<hbm>>
      %dma_wait3A_42 = tpu.memref_slice %arg4[%run_scoped3A_34, %mul3A_33] : memref<4x32768xf32, #tpu.memory_space<hbm>> -> memref<1x1024xf32, #tpu.memory_space<hbm>>
      %dma_wait3A_43 = tpu.memref_squeeze %dma_wait3A_42 : memref<1x1024xf32, #tpu.memory_space<hbm>> -> memref<1024xf32, #tpu.memory_space<hbm>>
      tpu.wait_dma2 semaphore(%run_scoped3A_37 : memref<!tpu.dma_semaphore, #tpu.memory_space<semaphore_mem>>) src(%arg8 : memref<1024xf32, #tpu.memory_space<vmem>>) dst(%dma_wait3A_43 : memref<1024xf32, #tpu.memory_space<hbm>>)
      tpu.yield
    }) : () -> ()
    %run_scoped3A_35 = arith.constant 2 : i32
    "tpu.region"() ({
      %run_scoped3A_37 = tpu.sem_alloc : memref<!tpu.dma_semaphore, #tpu.memory_space<semaphore_mem>>
      %dma_start3A = tpu.memref_slice %arg4[%run_scoped3A_35, %mul3A_33] : memref<4x32768xf32, #tpu.memory_space<hbm>> -> memref<1x1024xf32, #tpu.memory_space<hbm>>
      %dma_start3A_38 = tpu.memref_squeeze %dma_start3A : memref<1x1024xf32, #tpu.memory_space<hbm>> -> memref<1024xf32, #tpu.memory_space<hbm>>
      %dma_start3A_39 = tpu.memref_slice %arg4[%run_scoped3A_35, %mul3A_33] : memref<4x32768xf32, #tpu.memory_space<hbm>> -> memref<1x1024xf32, #tpu.memory_space<hbm>>
      %dma_start3A_40 = tpu.memref_squeeze %dma_start3A_39 : memref<1x1024xf32, #tpu.memory_space<hbm>> -> memref<1024xf32, #tpu.memory_space<hbm>>
      tpu.enqueue_dma source(%arg9 : memref<1024xf32, #tpu.memory_space<vmem>>) target(%dma_start3A_40 : memref<1024xf32, #tpu.memory_space<hbm>>) target_semaphore(%run_scoped3A_37 : memref<!tpu.dma_semaphore, #tpu.memory_space<semaphore_mem>>)
      %dma_wait3A = tpu.memref_slice %arg4[%run_scoped3A_35, %mul3A_33] : memref<4x32768xf32, #tpu.memory_space<hbm>> -> memref<1x1024xf32, #tpu.memory_space<hbm>>
      %dma_wait3A_41 = tpu.memref_squeeze %dma_wait3A : memref<1x1024xf32, #tpu.memory_space<hbm>> -> memref<1024xf32, #tpu.memory_space<hbm>>
      %dma_wait3A_42 = tpu.memref_slice %arg4[%run_scoped3A_35, %mul3A_33] : memref<4x32768xf32, #tpu.memory_space<hbm>> -> memref<1x1024xf32, #tpu.memory_space<hbm>>
      %dma_wait3A_43 = tpu.memref_squeeze %dma_wait3A_42 : memref<1x1024xf32, #tpu.memory_space<hbm>> -> memref<1024xf32, #tpu.memory_space<hbm>>
      tpu.wait_dma2 semaphore(%run_scoped3A_37 : memref<!tpu.dma_semaphore, #tpu.memory_space<semaphore_mem>>) src(%arg9 : memref<1024xf32, #tpu.memory_space<vmem>>) dst(%dma_wait3A_43 : memref<1024xf32, #tpu.memory_space<hbm>>)
      tpu.yield
    }) : () -> ()
    %run_scoped3A_36 = arith.constant 3 : i32
    "tpu.region"() ({
      %run_scoped3A_37 = tpu.sem_alloc : memref<!tpu.dma_semaphore, #tpu.memory_space<semaphore_mem>>
      %dma_start3A = tpu.memref_slice %arg4[%run_scoped3A_36, %mul3A_33] : memref<4x32768xf32, #tpu.memory_space<hbm>> -> memref<1x1024xf32, #tpu.memory_space<hbm>>
      %dma_start3A_38 = tpu.memref_squeeze %dma_start3A : memref<1x1024xf32, #tpu.memory_space<hbm>> -> memref<1024xf32, #tpu.memory_space<hbm>>
      %dma_start3A_39 = tpu.memref_slice %arg4[%run_scoped3A_36, %mul3A_33] : memref<4x32768xf32, #tpu.memory_space<hbm>> -> memref<1x1024xf32, #tpu.memory_space<hbm>>
      %dma_start3A_40 = tpu.memref_squeeze %dma_start3A_39 : memref<1x1024xf32, #tpu.memory_space<hbm>> -> memref<1024xf32, #tpu.memory_space<hbm>>
      tpu.enqueue_dma source(%arg10 : memref<1024xf32, #tpu.memory_space<vmem>>) target(%dma_start3A_40 : memref<1024xf32, #tpu.memory_space<hbm>>) target_semaphore(%run_scoped3A_37 : memref<!tpu.dma_semaphore, #tpu.memory_space<semaphore_mem>>)
      %dma_wait3A = tpu.memref_slice %arg4[%run_scoped3A_36, %mul3A_33] : memref<4x32768xf32, #tpu.memory_space<hbm>> -> memref<1x1024xf32, #tpu.memory_space<hbm>>
      %dma_wait3A_41 = tpu.memref_squeeze %dma_wait3A : memref<1x1024xf32, #tpu.memory_space<hbm>> -> memref<1024xf32, #tpu.memory_space<hbm>>
      %dma_wait3A_42 = tpu.memref_slice %arg4[%run_scoped3A_36, %mul3A_33] : memref<4x32768xf32, #tpu.memory_space<hbm>> -> memref<1x1024xf32, #tpu.memory_space<hbm>>
      %dma_wait3A_43 = tpu.memref_squeeze %dma_wait3A_42 : memref<1x1024xf32, #tpu.memory_space<hbm>> -> memref<1024xf32, #tpu.memory_space<hbm>>
      tpu.wait_dma2 semaphore(%run_scoped3A_37 : memref<!tpu.dma_semaphore, #tpu.memory_space<semaphore_mem>>) src(%arg10 : memref<1024xf32, #tpu.memory_space<vmem>>) dst(%dma_wait3A_43 : memref<1024xf32, #tpu.memory_space<hbm>>)
      tpu.yield
    }) : () -> ()
    return
  }
}

module attributes {stable_mosaic.version = 14 : i64} {
  func.func @_tc_body(%arg0: i32, %arg1: memref<1xf32, #tpu.memory_space<smem>>, %arg2: memref<4x512xf32, #tpu.memory_space<vmem>>, %arg3: memref<512x2048xf32, #tpu.memory_space<vmem>>, %arg4: memref<512x2048xf32, #tpu.memory_space<vmem>>) attributes {dimension_semantics = [#tpu.dimension_semantics<arbitrary>], iteration_bounds = array<i64: 64>, scalar_prefetch = 0 : i64, scratch_operands = 0 : i64, tpu.core_type = #tpu.core_type<tc>, window_params = [{transform_indices = @transform_0, window_bounds = array<i64: 1>}, {transform_indices = @transform_1, window_bounds = array<i64: 4, 512>}, {transform_indices = @transform_2, window_bounds = array<i64: 512, 2048>}, {transform_indices = @transform_3, window_bounds = array<i64: 512, 2048>}]} {
    %get3A = arith.constant 0 : index
    %get3A_0 = memref.load %arg1[%get3A] : memref<1xf32, #tpu.memory_space<smem>>
    %get3A_1 = arith.constant 2 : index
    %get3A_2 = arith.constant 0 : index
    %get3A_3 = vector.load %arg2[%get3A_1, %get3A_2] : memref<4x512xf32, #tpu.memory_space<vmem>>, vector<2x512xf32>
    %eq3A = vector.broadcast %get3A_0 : f32 to vector<2x512xf32>
    %eq3A_4 = arith.cmpf oeq, %get3A_3, %eq3A : vector<2x512xf32>
    %get3A_5 = arith.constant 0 : index
    %get3A_6 = arith.constant 0 : index
    %get3A_7 = vector.load %arg2[%get3A_5, %get3A_6] : memref<4x512xf32, #tpu.memory_space<vmem>>, vector<2x512xf32>
    %jit3A = arith.constant 0.000000e+00 : f32
    %broadcast_in_dim3A = vector.broadcast %jit3A : f32 to vector<2x512xf32>
    %select_n3A = arith.select %eq3A_4, %get3A_7, %broadcast_in_dim3A : vector<2x512xi1>, vector<2x512xf32>
    %broadcast_in_dim3A_8 = arith.constant 1.000000e+00 : f32
    %broadcast_in_dim3A_9 = vector.broadcast %broadcast_in_dim3A_8 : f32 to vector<2x128xf32>
    %dot_general3A = arith.constant dense<0.000000e+00> : vector<512x128xf32>
    %dot_general3A_10 = tpu.matmul %select_n3A, %broadcast_in_dim3A_9, %dot_general3A {dimension_numbers = #tpu.dot_dimension_numbers<[0], [0], [1], [1], [0, 1, 1, 1], [], []>, transpose_lhs_hint = false} : vector<2x512xf32>, vector<2x128xf32>, vector<512x128xf32> -> vector<512x128xf32>
    %get3A_11 = arith.constant 0 : index
    %get3A_12 = arith.constant 0 : index
    %get3A_13 = vector.load %arg3[%get3A_11, %get3A_12] : memref<512x2048xf32, #tpu.memory_space<vmem>>, vector<512x2048xf32>
    %slice3A = vector.extract_strided_slice %dot_general3A_10 {offsets = [0, 0], sizes = [512, 1], strides = [1, 1]} : vector<512x128xf32> to vector<512x1xf32>
    %mul3A = vector.broadcast %slice3A : vector<512x1xf32> to vector<512x2048xf32>
    %mul3A_14 = arith.mulf %get3A_13, %mul3A : vector<512x2048xf32>
    %swap3A = arith.constant 0 : index
    %swap3A_15 = arith.constant 0 : index
    %swap3A_16 = vector.load %arg4[%swap3A, %swap3A_15] : memref<512x2048xf32, #tpu.memory_space<vmem>>, vector<512x2048xf32>
    tpu.vector_store %arg4[%swap3A, %swap3A_15], %mul3A_14 {strides = array<i32>} : memref<512x2048xf32, #tpu.memory_space<vmem>>, vector<512x2048xf32>,
    return
  }
  func.func @transform_0(%arg0: i32) -> i32 {
    %c0_i32 = arith.constant 0 : i32
    %c0_i32_0 = arith.constant 0 : i32
    return %c0_i32 : i32
  }
  func.func @transform_1(%arg0: i32) -> (i32, i32) {
    %c0_i32 = arith.constant 0 : i32
    %c0_i32_0 = arith.constant 0 : i32
    return %c0_i32, %arg0 : i32, i32
  }
  func.func @transform_2(%arg0: i32) -> (i32, i32) {
    %c0_i32 = arith.constant 0 : i32
    %c0_i32_0 = arith.constant 0 : i32
    return %arg0, %c0_i32 : i32, i32
  }
  func.func @transform_3(%arg0: i32) -> (i32, i32) {
    %c0_i32 = arith.constant 0 : i32
    %c0_i32_0 = arith.constant 0 : i32
    return %arg0, %c0_i32 : i32, i32
  }
}

</mosaic_0001>

<sc_bundles>
// kernel: kernel.4.cloned.1.call-start
scs
__scs_entry_jumppad:
0x0: {  	(pc) =	sbr.rel $0x88, $3  }
0x1: {  	(tag) =	ssettag $0x0;
	lr =	simm.s32 $0x1  }
0x2: {  	[smem:$0x3F9D] =	sst lr;
	_ =	strace $0xD0000000  }
0x3: {  	_ = 	snop  }
0x4: {  	_ = 	snop  }
0x5: {  	_ = 	snop  }
0x6: {  	_ = 	snop  }
0x7: {  	_ = 	snop  }
__scs_overlays_trampoline_lowered:
0x8: {  	[smem:$0x3FAC] =	sst s0  }
0x9: {  	[smem:$0x3FAD] =	sst s1  }
0xa: {  	[smem:$0x3FAE] =	sst s2  }
0xb: {  	[smem:$0x3FAF] =	sst s3  }
0xc: {  	[smem:$0x3FB0] =	sst s4  }
0xd: {  	[smem:$0x3FB1] =	sst s5  }
0xe: {  	[smem:$0x3FB2] =	sst s6  }
0xf: {  	[smem:$0x3FB3] =	sst s7  }
0x10: {  	[smem:$0x3FB4] =	sst s8  }
0x11: {  	[smem:$0x3FB5] =	sst s9;
	s0 =	simm.s32 @!p0 $0x0  }
0x12: {  	s1 =	sld [smem:$0x3F9B];
	s0 =	simm.s32 @p0 $0x1  }
0x13: {  	[smem:$0x3FB6] =	sst s0;
	s0 =	simm.s32 @!p1 $0x0  }
0x14: {  	s2 =	sld [smem:$0x3F9A];
	s0 =	simm.s32 @p1 $0x1  }
0x15: {  	[smem:$0x3FB7] =	sst s0;
	s0 =	simm.s32 @!p2 $0x0  }
0x16: {  	s3 =	sld [smem:$0x3FDB];
	s0 =	simm.s32 @p2 $0x1  }
0x17: {  	s4 =	simm.s32 $0x1BF5;
	[smem:$0x3FB9] =	sst s0  }
0x18: {  	s0 =	sld [smem:$0x3F9C];
	_ =	swait.ge [sflag:s4], $0x0  }
0x19: {  	s7 =	sld [smem:$0x3F9D]  }
0x1a: {  	s8 =	sadd.s32 $0xFFFFE003, lr  }
0x1b: {  	s9 =	sadd.s32 $0xFFFFFEF7, lr;
	s5 =	simm.s32 $0xFFFFFFFF;
	p2 =	slt.u32 s8, $0xFFFFF086  }
0x1c: {  	p1 =	slt.u32 s9, $0xF7A;
	s5 =	simm.s32 @!p2 $0x0  }
0x1d: {  	s5 =	simm.s32 @p1 $0x1;
	p0 =	seq.s32 s7, s2  }
0x1e: {  	s7 =	smul.u32 @!p0 $0xF7A, s2;
	p2 =	seq.s32 @!p0 s5, $0x0  }
0x1f: {  	s9 =	smul.u32 $0xF7A, s1;
	s8 =	simm.s32 @!p0 $0x1BF5;
	p2 =	por !p2, p0  }
0x20: {  	[sflag:s8] =	ssyncset.s32 @!p0 $0xFFFFF086;
	s6 =	sadd.s32 @!p0 s3, s7;
	s7 =	simm.s32 @!p0 $0x108  }
0x21: {  	s3 =	sadd.s32 s3, s9;
	s6 =	sadd.s32 @!p0 $0x88, s6;
	s7 =	simm.s32 @p2 $0x1082  }
0x22: {  	[simem:s7], [sflag:s8] =	dma.local @!p0 [hbm:s6], $0xF7A  }
0x23: {  	s9 =	sor.u32 $0xD0000000, s2;
	s6 =	simm.s32 $0x108;
	_ =	swait.ge @!p0 [sflag:s8], $0x0  }
0x24: {  	s3 =	sadd.s32 $0x88, s3;
	s6 =	simm.s32 @!p1 $0x1082;
	[sflag:s4] =	ssyncset.s32 $0xFFFFF086  }
0x25: {  	[simem:s6], [sflag:s4] =	dma.local [hbm:s3], $0xF7A  }
0x26: {  	[smem:$0x3F9D] =	sst s1;
	(tag) =	ssettag s2;
	_ =	strace s9  }
0x27: {  	s1 =	sld [smem:$0x3FAD]  }
0x28: {  	s2 =	sld [smem:$0x3FAE]  }
0x29: {  	s4 =	sld [smem:$0x3FB0]  }
0x2a: {  	p0 =	seq.s32 s5, $0x0;
	s5 =	sld [smem:$0x3FB1]  }
0x2b: {  	s6 =	sld [smem:$0x3FB2]  }
0x2c: {  	s7 =	sld [smem:$0x3FB3]  }
0x2d: {  	s3 =	simm.s32 $0x108;
	s8 =	sld [smem:$0x3FB4]  }
0x2e: {  	s3 =	simm.s32 @!p0 $0x1082;
	s9 =	sld [smem:$0x3FB5]  }
0x2f: {  	lr =	sadd.s32 s0, s3;
	s0 =	sld [smem:$0x3FAC]  }
0x30: {  	s3 =	sld [smem:$0x3FAF]  }
0x31: {  	[smem:$0x3FB8] =	sst s10  }
0x32: {  	s10 =	sld [smem:$0x3FB6];
	_ =	sdelay $0x3  }
0x33: {  	p0 =	seq.s32 s10, $0x1;
	s10 =	sld [smem:$0x3FB8];
	_ =	sdelay $0x3  }
0x34: {  	[smem:$0x3FB8] =	sst s10  }
0x35: {  	s10 =	sld [smem:$0x3FB7];
	_ =	sdelay $0x3  }
0x36: {  	p1 =	seq.s32 s10, $0x1;
	s10 =	sld [smem:$0x3FB8];
	_ =	sdelay $0x3  }
0x37: {  	[smem:$0x3FB8] =	sst s10  }
0x38: {  	s10 =	sld [smem:$0x3FB9]  }
0x39: {  	_ = 	snop;
	(pc) =	sbr.ind lr, $3  }
0x3a: {  	_ = 	snop  }
0x3b: {  	_ = 	snop  }
0x3c: {  	p2 =	seq.s32 s10, $0x1;
	s10 =	sld [smem:$0x3FB8]  }
0x3d: {  	_ =	shalt  }
0x3e: {  	_ =	shalt  }
0x3f: {  	_ =	shalt  }
0x40: {  	_ =	shalt  }
0x41: {  	_ =	shalt  }
0x42: {  	_ =	shalt  }
0x43: {  	_ =	shalt  }
0x44: {  	_ =	shalt  }
0x45: {  	_ =	shalt  }
0x46: {  	_ =	shalt  }
0x47: {  	_ =	shalt  }
0x48: {  	_ =	shalt  }
0x49: {  	_ =	shalt  }
0x4a: {  	_ =	shalt  }
0x4b: {  	_ =	shalt  }
0x4c: {  	_ =	shalt  }
0x4d: {  	_ =	shalt  }
0x4e: {  	_ =	shalt  }
0x4f: {  	_ =	shalt  }
0x50: {  	_ =	shalt  }
0x51: {  	_ =	shalt  }
0x52: {  	_ =	shalt  }
0x53: {  	_ =	shalt  }
0x54: {  	_ =	shalt  }
0x55: {  	_ =	shalt  }
0x56: {  	_ =	shalt  }
0x57: {  	_ =	shalt  }
0x58: {  	_ =	shalt  }
0x59: {  	_ =	shalt  }
0x5a: {  	_ =	shalt  }
0x5b: {  	_ =	shalt  }
0x5c: {  	_ =	shalt  }
0x5d: {  	_ =	shalt  }
0x5e: {  	_ =	shalt  }
0x5f: {  	_ =	shalt  }
0x60: {  	_ =	shalt  }
0x61: {  	_ =	shalt  }
0x62: {  	_ =	shalt  }
0x63: {  	_ =	shalt  }
0x64: {  	_ =	shalt  }
0x65: {  	_ =	shalt  }
0x66: {  	_ =	shalt  }
0x67: {  	_ =	shalt  }
0x68: {  	_ =	shalt  }
0x69: {  	_ =	shalt  }
0x6a: {  	_ =	shalt  }
0x6b: {  	_ =	shalt  }
0x6c: {  	_ =	shalt  }
0x6d: {  	_ =	shalt  }
0x6e: {  	_ =	shalt  }
0x6f: {  	_ =	shalt  }
0x70: {  	_ =	shalt  }
0x71: {  	_ =	shalt  }
0x72: {  	_ =	shalt  }
0x73: {  	_ =	shalt  }
0x74: {  	_ =	shalt  }
0x75: {  	_ =	shalt  }
0x76: {  	_ =	shalt  }
0x77: {  	_ =	shalt  }
0x78: {  	_ =	shalt  }
0x79: {  	_ =	shalt  }
0x7a: {  	_ =	shalt  }
0x7b: {  	_ =	shalt  }
0x7c: {  	_ =	shalt  }
0x7d: {  	_ =	shalt  }
0x7e: {  	_ =	shalt  }
0x7f: {  	_ =	shalt  }
0x80: {  	_ =	shalt  }
0x81: {  	_ =	shalt  }
0x82: {  	_ =	shalt  }
0x83: {  	_ =	shalt  }
0x84: {  	_ =	shalt  }
0x85: {  	_ =	shalt  }
0x86: {  	_ =	shalt  }
0x87: {  	_ =	shalt  }
.Lfunc_end0:
.L_simem_size_0:
called_computation_lowered:
.L_overlay_start_0:
0x88: {  	s2 =	sld [smem:$0x3FD9]  }
0x89: {  	s3 =	sld [smem:$0x3FFE];
	_ =	sdelay $0x1  }
0x8a: {  	s1 =	srdreg.scid  }
0x8b: {  	s0 =	sand.u32 $0x1, s1  }
0x8c: {  	s17 =	sshll.u32 s0, $0xA;
	s2 =	sadd.s32 s3, s2  }
0x8d: {  	s2 =	sadd.s32 s2, s17  }
0x8e: {  	[smem:$0x3FC4] =	sst s2  }
0x8f: {  	_ = 	snop  }
0x90: {  	s2 =	sld [smem:$0x3FD0];
	(tm) =	ssettm $0x1  }
0x91: {  	s18 =	sld [smem:$0x3FFB];
	_ =	sdelay $0x3  }
0x92: {  	_ =	strace s18  }
0x93: {  	s3 =	sld [smem:$0x3FFC];
	_ =	sdelay $0x3  }
0x94: {  	_ =	strace s3  }
0x95: {  	s3 =	sld [smem:$0x3FFD];
	_ =	sdelay $0x3  }
0x96: {  	_ =	strace s3  }
0x97: {  	_ =	strace $0x8FFFFFFF  }
0x98: {  	s19 =	sld [smem:$0x3FDB];
	_ =	sdelay $0x1  }
0x99: {  	s4 =	simm.s32 $_scs_section_size  }
0x9a: {  	s5 =	simm.s32 $_size__tile_overlayer_lowered;
	s6 =	simm.s32 $_tile_overlayer_lowered  }
0x9b: {  	s22 =	simm.s32 $0x1BFF;
	s21 =	sshll.u32 s6, $0x1;
	s3 =	sadd.s32 s4, s19  }
0x9c: {  	s7 =	simm.s32 $0x0;
	s20 =	sshll.u32 s5, $0x1;
	s5 =	sadd.s32 s21, s3  }
0x9d: {  	[timem:s7], [sflag:s22] =	dma.local [hbm:s5], s20  }
0x9e: {  	_ =	swait.ge [sflag:s22], s20  }
0x9f: {  	s4 =	ssub.s32 $0x0, s20;
	[sflag:s22] =	ssyncset.done $0x0  }
0xa0: {  	[sflag:s22] =	ssyncadd.s32 s4;
	_ =	sdelay $0x1  }
0xa1: {  	s23 =	simm.s32 $0x1B8B  }
0xa2: {  	_ =	swait.ge [sflag:s23], $0x1  }
0xa3: {  	[sflag:s23] =	ssyncset.done $0x0  }
0xa4: {  	s25 =	simm.s32 $0x1B8E;
	s24 =	sld [smem:$0x3FFE];
	[sflag:s23] =	ssyncadd.s32 $0xFFFFFFFF  }
0xa5: {  	s26 =	simm.s32 $execute0_lowered;
	[smem:$0x3FD2] =	sst s25  }
0xa6: {  	s5 =	sshll.u32 s26, $0x1;
	_ =	strace $0x80000046;
	[dreg:$0x1] =	wrdreg $0xFFFFFFFF  }
0xa7: {  	s28 =	simm.s32 $_size_execute0_lowered;
	s3 =	sadd.s32 s3, s5;
	[dreg:$0x0] =	wrdreg $0x0  }
0xa8: {  	s5 =	sshll.u32 s28, $0x1;
	[dreg:$0x2] =	wrdreg s3  }
0xa9: {  	[dreg:$0x3] =	wrdreg s5  }
0xaa: {  	[dreg:$0x4] =	wrdreg $0xC0  }
0xab: {  	_ =	task [dreg:s7], $0x5FFFF  }
0xac: {  	[dreg:$0x1] =	wrdreg $0xFFFFFFFF  }
0xad: {  	[dreg:$0x0] =	wrdreg $0x60  }
0xae: {  	[dreg:$0x2] =	wrdreg s24  }
0xaf: {  	[dreg:$0x3] =	wrdreg s2  }
0xb0: {  	[dreg:$0x4] =	wrdreg $0x9  }
0xb1: {  	_ =	task.clear_ibuf [dreg:s7], $0x5FFFF;
	_ =	strace $0x90000046  }
0xb2: {  	s29 =	simm.s32 $0x9;
	_ =	strace $0x80000048  }
0xb3: {  	_ =	swait.ge [sflag:s29], $0x1  }
0xb4: {  	[sflag:s29] =	ssyncadd.s32 $0xFFFFFFFF  }
0xb5: {  	_ =	strace $0x90000048  }
0xb6: {  	_ =	sfence  }
0xb7: {  	s30 =	sld [smem:$0x0];
	_ =	sdelay $0x2  }
0xb8: {  	s31 =	sshll.u32 s1, $0xD;
	s1 =	sshrl.u32 s1, $0x2  }
0xb9: {  	s3 =	sand.u32 $0x4000, s31;
	s1 =	sadd.s32 s1, s30  }
0xba: {  	s0 =	sor.u32 s3, s0;
	s1 =	sshll.u32 s1, $0x11  }
0xbb: {  	s0 =	sor.u32 s1, s0  }
0xbc: {  	s0 =	sadd.s32 $0x8F2B, s0  }
0xbd: {  	[sflag:s0] =	ssyncadd.remote.s32 $0x1  }
0xbe: {  	_ =	sfence.sel $0xFFFF  }
0xbf: {  	[dreg:$0x0] =	wrdreg $0xFFFFFFFF;
	(pc) =	sbr.abs _section_cstart, $3  }
0xc0: {  	[dreg:$0x1] =	wrdreg $0xFFFFFFFF  }
0xc1: {  	_ =	task.clear_ibuf [dreg:s7], $0x2FFFF;
	_ =	strace $0x9FFFFFFF  }
0xc2: {  	(tm) =	ssettm $0x7FFFFFFF  }
0xc3: {  	_ =	shalt  }
tec
execute0_lowered:
.L_overlay_start_1:
0x0: {  	(tag) =	ssettag $0x1  }
0x1: {  	s3 =	rddreg [dreg:$0x0]  }
0x2: {  	s4 =	rddreg [dreg:$0x1]  }
0x3: {  	s0 =	rddreg [dreg:$0x2]  }
0x4: {  	s2 =	simm.s32 $0x0;
	s5 =	srdreg.scid;
	s1 =	stileid.u32  }
0x5: {  	s10 =	simm.s32 $0x1;
	s11 =	simm.s32 $0x800;
	s12 =	simm.s32 $0x80  }
0x6: {  	s13 =	simm.s32 $0x200;
	s14 =	simm.s32 $0x1000;
	s15 =	simm.s32 $0x1400  }
0x7: {  	s16 =	simm.s32 $0x1800;
	s17 =	simm.s32 $0x1C00;
	s18 =	simm.s32 $0x0  }
0x8: {  	[smem:$0x7FF] =	sst s2;
	s5 =	sand.u32 $0x1, s5;
	s6 =	sshll.u32 s1, $0x1  }
0x9: {  	v0 =	vlaneseq.u32;
	_ =	strace $0x80000047;
	s6 =	sor.u32 s5, s6;
	s5 =	ssub.s32 $0x2, s5  }
0xa: {  	v0 =	vand.u32 $0x7, v0;
	s7 =	sshll.u32 s6, $0x8;
	s8 =	sshrl.u32 s5, $0x1;
	s6 =	sshll.u32 s6, $0x9  }
0xb: {  	v0 =	vmul.u32 $0x2, v0;
	s7 =	sadd.s32 s7, s3;
	s9 =	ssub.s32 s5, s8;
	s3 =	sadd.s32 s4, s6  }
0xc: {  	s4 =	sadd.s32 $0x2600, s7;
	s5 =	sadd.s32 $0x600, s7;
	s6 =	sadd.s32 $0x10, s3  }
0xd: {  	vm0 =	vmmov $0xff;
	v1 =	vor.u32 $0x1, v0;
	s7 =	sadd.s32 $0x20, s3;
	s8 =	sadd.s32 $0x30, s3;
	s9 =	smax.u32 s9, $0x1  }
.LBB2_1:
0xe: {  	[tilespmem:s2], [sflag:$0x1] =	stream.linear.gather [hbm4b:s4+s2], $0x800, $0x38;
	[tilespmem:$0x2000] =	vst v63  }
0xf: {  	_ =	swait.ge [sflag:s10], $0x800  }
0x10: {  	[sflag:s10] =	ssyncset.done $0x0  }
0x11: {  	[sflag:s10] =	ssyncadd.s32 $0xFFFFF800  }
0x12: {  	[tilespmem:s11], [sflag:$0x1] =	stream.linear.gather [hbm4b:s5+s2], $0x800, $0x38;
	[tilespmem:$0x2000] =	vst v63  }
0x13: {  	_ =	swait.ge [sflag:s10], $0x800  }
0x14: {  	[sflag:s10] =	ssyncset.done $0x0  }
0x15: {  	s19 =	simm.s32 $0x810;
	[sflag:s10] =	ssyncadd.s32 $0xFFFFF800  }
0x16: {  	v2 =	vld [tilespmem:s19+$0x0]  }
0x17: {  	s20 =	simm.s32 $0x10;
	v3 =	vld [tilespmem:s19+$0xFFFFFFF0]  }
0x18: {  	v4 =	vld [tilespmem:s20+$0xFFFFFFF0]  }
0x19: {  	v5 =	vld [tilespmem:s20+$0x0];
	_ =	sdelay $0x2  }
0x1a: {  	v6 =	vperm.xlane v2, v0;
	v7 =	vperm.xlane v3, v0  }
0x1b: {  	v3 =	vperm.xlane v3, v1;
	v2 =	vperm.xlane v2, v1  }
0x1c: {  	s22 =	simm.s32 $0x0;
	v8 =	vperm.xlane v4, v1;
	v9 =	vperm.xlane v5, v1;
	v6 =	vsel vm0, v7, v6  }
0x1d: {  	v7 =	vsel vm0, v3, v2;
	v2 =	vperm.xlane v5, v0;
	v3 =	vperm.xlane v4, v0;
	[tilespmem:s22+$0x1800] =	vst v6  }
0x1e: {  	s21 =	simm.s32 $0x40;
	v4 =	vsel vm0, v8, v9;
	[tilespmem:s22+$0x1C00] =	vst v7  }
.LBB2_2:
0x1f: {  	p0 =	sne.s32 s21, $0xFC0;
	v2 =	vsel vm0, v3, v2;
	[tilespmem:s22+$0x1400] =	vst v4;
	s20 =	sadd.s32 $0x20, s20;
	s19 =	sadd.s32 $0x20, s19  }
0x20: {  	[tilespmem:s22+$0x1000] =	vst v2;
	s22 =	smov.u32 s21;
	s21 =	sadd.s32 $0x40, s21  }
0x21: {  	v2 =	vld [tilespmem:s19+$0x0]  }
0x22: {  	v3 =	vld [tilespmem:s19+$0xFFFFFFF0]  }
0x23: {  	v4 =	vld [tilespmem:s20+$0xFFFFFFF0]  }
0x24: {  	v5 =	vld [tilespmem:s20+$0x0];
	_ =	sdelay $0x1  }
0x25: {  	v6 =	vperm.xlane v2, v0  }
.Ltmp0:
0x26: {  	v7 =	vperm.xlane v3, v0;
	v8 =	vperm.xlane v3, v1;
	(pc) =	sbr.rel @p0 .LBB2_2-.Ltmp0, $4  }
0x27: {  	v10 =	vperm.xlane v2, v1;
	v9 =	vperm.xlane v4, v1  }
0x28: {  	s22 =	sshra.s32 s22, $0x2;
	v2 =	vperm.xlane v5, v0;
	v5 =	vperm.xlane v5, v1;
	v6 =	vsel vm0, v7, v6  }
0x29: {  	v3 =	vperm.xlane v4, v0;
	v7 =	vsel vm0, v8, v10;
	[tilespmem:s22+$0x1800] =	vst v6  }
0x2a: {  	v4 =	vsel vm0, v9, v5;
	[tilespmem:s22+$0x1C00] =	vst v7  }
0x2b: {  	v2 =	vsel vm0, v3, v2;
	[tilespmem:s22+$0x1400] =	vst v4  }
0x2c: {  	[tilespmem:s22+$0x1000] =	vst v2  }
0x2d: {  	[hbm4b:s3+s12] =	stream.strided.scatter [tilespmem:s14], [sflag:$0x1], $0x400, s13, s12, $0x38;
	[tilespmem:$0x2000] =	vst v63  }
0x2e: {  	_ =	swait.ge [sflag:s10], $0x400  }
0x2f: {  	[sflag:s10] =	ssyncset.done $0x0  }
0x30: {  	[sflag:s10] =	ssyncadd.s32 $0xFFFFFC00  }
0x31: {  	[hbm4b:s6+s12] =	stream.strided.scatter [tilespmem:s15], [sflag:$0x1], $0x400, s13, s12, $0x38;
	[tilespmem:$0x2000] =	vst v63  }
0x32: {  	_ =	swait.ge [sflag:s10], $0x400  }
0x33: {  	[sflag:s10] =	ssyncset.done $0x0  }
0x34: {  	[sflag:s10] =	ssyncadd.s32 $0xFFFFFC00  }
0x35: {  	[hbm4b:s7+s12] =	stream.strided.scatter [tilespmem:s16], [sflag:$0x1], $0x400, s13, s12, $0x38;
	[tilespmem:$0x2000] =	vst v63  }
0x36: {  	s18 =	sadd.s32 $0x1, s18;
	_ =	swait.ge [sflag:s10], $0x400  }
0x37: {  	p0 =	sne.s32 s18, s9;
	[sflag:s10] =	ssyncset.done $0x0  }
.Ltmp1:
0x38: {  	[sflag:s10] =	ssyncadd.s32 $0xFFFFFC00;
	(pc) =	sbr.rel @p0 .LBB2_1-.Ltmp1, $4  }
0x39: {  	[hbm4b:s8+s12] =	stream.strided.scatter [tilespmem:s17], [sflag:$0x1], $0x400, s13, s12, $0x38;
	[tilespmem:$0x2000] =	vst v63  }
0x3a: {  	_ =	swait.ge [sflag:s10], $0x400  }
0x3b: {  	[sflag:s10] =	ssyncset.done $0x0  }
0x3c: {  	[sflag:s10] =	ssyncadd.s32 $0xFFFFFC00  }
0x3d: {  	_ =	sfence.sel $0x180000  }
0x3e: {  	[bflag:$0x0] =	sbarrier.arrive $0xFFFF  }
0x3f: {  	p0 =	sne.s32 s1, $0x0;
	_ =	strace $0x90000047  }
0x40: {  	s0 =	sadd.s32 @!p0 $0x100000, s0;
	[bflag:$0x2] =	sbarrier.arrive $0xFFFF  }
0x41: {  	[sflag:s0] =	ssyncadd.tile.s32 @!p0 $0x1;
	_ =	shalt  }
.Lfunc_end2:
_tile_overlayer_lowered:
.L_overlay_start_2:
0x42: {  	(tag) =	ssettag $0x2  }
0x43: {  	s0 =	rddreg [dreg:$0x0];
	s2 =	stileid.u32  }
0x44: {  	s1 =	rddreg [dreg:$0x1];
	p0 =	sne.s32 s2, $0x0  }
0x45: {  	s3 =	rddreg [dreg:$0x2];
	[bflag:$0x3] =	sbarrier.arrive $0xFFFF;
	s2 =	simm.s32 @!p0 $0x1C01  }
0x46: {  	[timem:s3], [sflag:s2] =	dma.local @!p0 [hbm:s0], s1  }
0x47: {  	s0 =	simm.s32 @!p0 $0x1  }
0x48: {  	_ =	swait.ge @!p0 [sflag:s0], s1  }
0x49: {  	s1 =	ssub.s32 @!p0 $0x0, s1;
	[sflag:s0] =	ssyncset.done @!p0 $0x0  }
0x4a: {  	[sflag:s0] =	ssyncadd.s32 @!p0 s1  }
0x4b: {  	[bflag:$0x3] =	sbarrier.arrive $0xFFFF  }
0x4c: {  	_ =	shalt  }

</sc_bundles>
